<compile_context>
chip_gen: v7x
topology: tpu7x:2x2x1
jax: 0.10.2.dev20260603
libtpu: 0.0.44.dev20260713+nightly
codegen_flags: <defaults>
</compile_context>

<pallas_src>
import jax
import jax.numpy as jnp
from jax import lax
from jax.experimental import pallas as pl
from jax.experimental.pallas import tpu as pltpu
from jax.experimental.pallas import tpu_sc as plsc

BATCH = 16384
LANES = 16

_NC = 2
_NS = 16
_NW = _NC * _NS
_CHUNK = BATCH // _NW


def _sc_gather_kernel(lg_hbm, sn_hbm, hts_hbm, ats_hbm,
                      gam_hbm, hfa_hbm, del_hbm, att_hbm, defn_hbm,
                      bh_hbm, ba_hbm,
                      lg_v, sn_v, hts_v, ats_v,
                      ah_v, aa_v, dh_v, da_v,
                      gam_t, hfa_t, del_t,
                      bh_v, ba_v, sem, sem2):
    wid = lax.axis_index("s") * _NC + lax.axis_index("c")
    base = wid * _CHUNK

    idx_copies = [
        pltpu.async_copy(lg_hbm.at[pl.ds(base, _CHUNK)], lg_v, sem2),
        pltpu.async_copy(sn_hbm.at[pl.ds(base, _CHUNK)], sn_v, sem2),
        pltpu.async_copy(hts_hbm.at[pl.ds(base, _CHUNK)], hts_v, sem2),
        pltpu.async_copy(ats_hbm.at[pl.ds(base, _CHUNK)], ats_v, sem2),
    ]
    tbl_copies = [
        pltpu.async_copy(gam_hbm, gam_t.at[pl.ds(0, 1000)], sem2),
        pltpu.async_copy(hfa_hbm, hfa_t.at[pl.ds(0, 1000)], sem2),
        pltpu.async_copy(del_hbm, del_t.at[pl.ds(0, 50)], sem2),
    ]
    for c in idx_copies:
        c.wait()

    copies = [
        pltpu.async_copy(att_hbm.at[hts_v], ah_v, sem),
        pltpu.async_copy(att_hbm.at[ats_v], aa_v, sem),
        pltpu.async_copy(defn_hbm.at[hts_v], dh_v, sem),
        pltpu.async_copy(defn_hbm.at[ats_v], da_v, sem),
    ]

    for c in tbl_copies:
        c.wait()
    for c in copies:
        c.wait()

    @plsc.parallel_loop(0, _CHUNK, step=LANES)
    def _(s):
        lv = lg_v[pl.ds(s, LANES)]
        sv = sn_v[pl.ds(s, LANES)]
        g = plsc.load_gather(gam_t, [lv])
        h = plsc.load_gather(hfa_t, [lv])
        d = plsc.load_gather(del_t, [sv])
        gd = g + d
        bh_v[pl.ds(s, LANES)] = gd + h + ah_v[pl.ds(s, LANES)] - da_v[pl.ds(s, LANES)]
        ba_v[pl.ds(s, LANES)] = gd + aa_v[pl.ds(s, LANES)] - dh_v[pl.ds(s, LANES)]

    pltpu.sync_copy(bh_v, bh_hbm.at[pl.ds(base, _CHUNK)])
    pltpu.sync_copy(ba_v, ba_hbm.at[pl.ds(base, _CHUNK)])


def _sc_gather(lg, sn, hts, ats, gam2, hfa2, del2, att, defn):
    mesh = plsc.VectorSubcoreMesh(core_axis_name="c", subcore_axis_name="s")
    f = pl.kernel(
        _sc_gather_kernel,
        mesh=mesh,
        compiler_params=pltpu.CompilerParams(needs_layout_passes=False),
        out_type=[
            jax.ShapeDtypeStruct((BATCH,), jnp.float32),
            jax.ShapeDtypeStruct((BATCH,), jnp.float32),
        ],
        scratch_types=[
            pltpu.VMEM((_CHUNK,), jnp.int32),
            pltpu.VMEM((_CHUNK,), jnp.int32),
            pltpu.VMEM((_CHUNK,), jnp.int32),
            pltpu.VMEM((_CHUNK,), jnp.int32),
            pltpu.VMEM((_CHUNK,), jnp.float32),
            pltpu.VMEM((_CHUNK,), jnp.float32),
            pltpu.VMEM((_CHUNK,), jnp.float32),
            pltpu.VMEM((_CHUNK,), jnp.float32),
            pltpu.VMEM((1024,), jnp.float32),
            pltpu.VMEM((1024,), jnp.float32),
            pltpu.VMEM((64,), jnp.float32),
            pltpu.VMEM((_CHUNK,), jnp.float32),
            pltpu.VMEM((_CHUNK,), jnp.float32),
            pltpu.SemaphoreType.DMA,
            pltpu.SemaphoreType.DMA,
        ],
    )
    return f(lg, sn, hts, ats, gam2, hfa2, del2, att, defn)


def _tc_lin_kernel(xh_ref, xa_ref, beh_ref, bea_ref, lh_ref, la_ref):
    lh_ref[...] = jnp.sum(xh_ref[...] * beh_ref[...], axis=0).reshape(16, 128)
    la_ref[...] = jnp.sum(xa_ref[...] * bea_ref[...], axis=0).reshape(16, 128)


def _tc_lin(XT_home, XT_away, beta_home, beta_away):
    nblk = 8
    blk = BATCH // nblk
    lh, la = pl.pallas_call(
        _tc_lin_kernel,
        grid=(nblk,),
        in_specs=[
            pl.BlockSpec((64, blk), lambda i: (0, i)),
            pl.BlockSpec((64, blk), lambda i: (0, i)),
            pl.BlockSpec((64, 1), lambda i: (0, 0)),
            pl.BlockSpec((64, 1), lambda i: (0, 0)),
        ],
        out_specs=[
            pl.BlockSpec((16, 128), lambda i: (i, 0)),
            pl.BlockSpec((16, 128), lambda i: (i, 0)),
        ],
        out_shape=[
            jax.ShapeDtypeStruct((128, 128), jnp.float32),
            jax.ShapeDtypeStruct((128, 128), jnp.float32),
        ],
    )(XT_home, XT_away, beta_home.reshape(64, 1), beta_away.reshape(64, 1))
    return lh, la


def _tc_final_kernel(mu_ref, bh_ref, ba_ref, lh_ref, la_ref, oh_ref, oa_ref):
    mu = mu_ref[0, 0]
    log_h = jnp.clip(bh_ref[...] + mu + lh_ref[...], -10.0, 10.0)
    log_a = jnp.clip(ba_ref[...] + mu + la_ref[...], -10.0, 10.0)
    oh_ref[...] = jnp.exp(log_h)
    oa_ref[...] = jnp.exp(log_a)


def _tc_final(mu, base_h, base_a, lh, la):
    bh2 = base_h.reshape(128, 128)
    ba2 = base_a.reshape(128, 128)
    out_h, out_a = pl.pallas_call(
        _tc_final_kernel,
        in_specs=[
            pl.BlockSpec((1, 1), lambda: (0, 0)),
            pl.BlockSpec((128, 128), lambda: (0, 0)),
            pl.BlockSpec((128, 128), lambda: (0, 0)),
            pl.BlockSpec((128, 128), lambda: (0, 0)),
            pl.BlockSpec((128, 128), lambda: (0, 0)),
        ],
        out_specs=[
            pl.BlockSpec((128, 128), lambda: (0, 0)),
            pl.BlockSpec((128, 128), lambda: (0, 0)),
        ],
        out_shape=[
            jax.ShapeDtypeStruct((128, 128), jnp.float32),
            jax.ShapeDtypeStruct((128, 128), jnp.float32),
        ],
    )(mu.reshape(1, 1), bh2, ba2, lh, la)
    return out_h.reshape(BATCH), out_a.reshape(BATCH)


def kernel(league_idx, season_idx, home_ts_idx, away_ts_idx, X_home, X_away,
           mu, gamma_league, hfa_league, delta_season, att, defn,
           beta_home, beta_away):
    lg = league_idx.astype(jnp.int32)
    sn = season_idx.astype(jnp.int32)
    hts = home_ts_idx.astype(jnp.int32)
    ats = away_ts_idx.astype(jnp.int32)

    base_h, base_a = _sc_gather(lg, sn, hts, ats, gamma_league, hfa_league,
                                delta_season, att, defn)
    lh, la = _tc_lin(X_home.T, X_away.T, beta_home, beta_away)

    mu_arr = jnp.asarray(mu, jnp.float32)
    return _tc_final(mu_arr, base_h, base_a, lh, la)

# --- scband reference (transcript-rebuilt; emitter-appended) ---
"""Pipeline reference for scband-profeta-model-84121229459526 (READ-ONLY COPY).

The authoritative reference and input builder live on the scoring server;
editing this copy changes nothing except your own understanding.
"""

import jax, jax.numpy as jnp
import numpy as np

N_LEAGUES = 1000
N_SEASONS = 50
N_TEAM_SEASONS = 1000000
N_FEATURES = 64
BATCH = 16384


def setup_inputs(seed: int = 0) -> dict:
    key = jax.random.key(seed)
    ks = jax.random.split(key, 12)
    league_idx = jax.random.randint(ks[0], (BATCH,), 0, N_LEAGUES, dtype=jnp.int64 if jax.config.jax_enable_x64 else jnp.int32)
    season_idx = jax.random.randint(ks[1], (BATCH,), 0, N_SEASONS)
    home_ts_idx = jax.random.randint(ks[2], (BATCH,), 0, N_TEAM_SEASONS)
    away_ts_idx = jax.random.randint(ks[3], (BATCH,), 0, N_TEAM_SEASONS)
    X_home = jax.random.normal(ks[4], (BATCH, N_FEATURES), dtype=jnp.float32)
    X_away = jax.random.normal(ks[5], (BATCH, N_FEATURES), dtype=jnp.float32)
    # learned parameters (initialized as in the torch module: zeros / scalar 0.0;
    # small random values used here so gradients/outputs are nontrivial)
    mu = jnp.asarray(0.1, dtype=jnp.float32)
    gamma_league = 0.01 * jax.random.normal(ks[6], (N_LEAGUES,), dtype=jnp.float32)
    hfa_league = 0.01 * jax.random.normal(ks[7], (N_LEAGUES,), dtype=jnp.float32)
    delta_season = 0.01 * jax.random.normal(ks[8], (N_SEASONS,), dtype=jnp.float32)
    att = 0.01 * jax.random.normal(ks[9], (N_TEAM_SEASONS,), dtype=jnp.float32)
    defn = 0.01 * jax.random.normal(ks[10], (N_TEAM_SEASONS,), dtype=jnp.float32)
    beta_home = 0.01 * jax.random.normal(ks[11], (N_FEATURES,), dtype=jnp.float32)
    beta_away = 0.01 * jax.random.normal(jax.random.fold_in(key, 99), (N_FEATURES,), dtype=jnp.float32)
    return {
        "league_idx": league_idx,
        "season_idx": season_idx,
        "home_ts_idx": home_ts_idx,
        "away_ts_idx": away_ts_idx,
        "X_home": X_home,
        "X_away": X_away,
        "mu": mu,
        "gamma_league": gamma_league,
        "hfa_league": hfa_league,
        "delta_season": delta_season,
        "att": att,
        "defn": defn,
        "beta_home": beta_home,
        "beta_away": beta_away,
    }


def reference(league_idx, season_idx, home_ts_idx, away_ts_idx, X_home, X_away,
              mu, gamma_league, hfa_league, delta_season, att, defn,
              beta_home, beta_away):
    g = jnp.take(gamma_league, league_idx, axis=0)
    h = jnp.take(hfa_league, league_idx, axis=0)
    d = jnp.take(delta_season, season_idx, axis=0)
    att_home = jnp.take(att, home_ts_idx, axis=0)
    att_away = jnp.take(att, away_ts_idx, axis=0)
    def_home = jnp.take(defn, home_ts_idx, axis=0)
    def_away = jnp.take(defn, away_ts_idx, axis=0)
    base_home = mu + g + d + h + att_home - def_away
    base_away = mu + g + d + att_away - def_home
    lin_home = (X_home * beta_home).sum(axis=1)
    lin_away = (X_away * beta_away).sum(axis=1)
    log_h = jnp.clip(base_home + lin_home, -10.0, 10.0)
    log_a = jnp.clip(base_away + lin_away, -10.0, 10.0)
    return (jnp.exp(log_h), jnp.exp(log_a))

if __name__ == "__main__":
    import jax
    _d = setup_inputs()
    print(jax.jit(kernel)(*tuple(_d.values())))

</pallas_src>

<mosaic_0001>
#map = affine_map<(d0, d1) -> (0)>
module attributes {stable_mosaic.version = 14 : i64} {
  func.func @_sc_gather_kernel(%arg0: i32, %arg1: i32, %arg2: memref<16384xi32, #tpu.memory_space<hbm>>, %arg3: memref<16384xi32, #tpu.memory_space<hbm>>, %arg4: memref<16384xi32, #tpu.memory_space<hbm>>, %arg5: memref<16384xi32, #tpu.memory_space<hbm>>, %arg6: memref<1000xf32, #tpu.memory_space<hbm>>, %arg7: memref<1000xf32, #tpu.memory_space<hbm>>, %arg8: memref<50xf32, #tpu.memory_space<hbm>>, %arg9: memref<1000000xf32, #tpu.memory_space<hbm>>, %arg10: memref<1000000xf32, #tpu.memory_space<hbm>>, %arg11: memref<16384xf32, #tpu.memory_space<hbm>>, %arg12: memref<16384xf32, #tpu.memory_space<hbm>>, %arg13: memref<512xi32, #tpu.memory_space<vmem>>, %arg14: memref<512xi32, #tpu.memory_space<vmem>>, %arg15: memref<512xi32, #tpu.memory_space<vmem>>, %arg16: memref<512xi32, #tpu.memory_space<vmem>>, %arg17: memref<512xf32, #tpu.memory_space<vmem>>, %arg18: memref<512xf32, #tpu.memory_space<vmem>>, %arg19: memref<512xf32, #tpu.memory_space<vmem>>, %arg20: memref<512xf32, #tpu.memory_space<vmem>>, %arg21: memref<1024xf32, #tpu.memory_space<vmem>>, %arg22: memref<1024xf32, #tpu.memory_space<vmem>>, %arg23: memref<64xf32, #tpu.memory_space<vmem>>, %arg24: memref<512xf32, #tpu.memory_space<vmem>>, %arg25: memref<512xf32, #tpu.memory_space<vmem>>, %arg26: memref<!tpu.dma_semaphore, #tpu.memory_space<semaphore_mem>>, %arg27: memref<!tpu.dma_semaphore, #tpu.memory_space<semaphore_mem>>) attributes {dimension_semantics = [#tpu.dimension_semantics<core_parallel>, #tpu.dimension_semantics<subcore_parallel>], iteration_bounds = array<i64: 2, 16>, scalar_prefetch = 0 : i64, scratch_operands = 15 : i64, tpu.core_type = #tpu.core_type<sc_vector_subcore>, window_params = [{transform_indices = #map}, {transform_indices = #map}, {transform_indices = #map}, {transform_indices = #map}, {transform_indices = #map}, {transform_indices = #map}, {transform_indices = #map}, {transform_indices = #map}, {transform_indices = #map}, {transform_indices = #map}, {transform_indices = #map}]} {
    %mul3A = arith.constant 2 : i32
    %mul3A_0 = arith.muli %arg1, %mul3A : i32
    %add3A = arith.addi %mul3A_0, %arg0 : i32
    %mul3A_1 = arith.constant 512 : i32
    %mul3A_2 = arith.muli %add3A, %mul3A_1 : i32
    %dma_start3A = tpu.memref_slice %arg2[%mul3A_2] : memref<16384xi32, #tpu.memory_space<hbm>> -> memref<512xi32, #tpu.memory_space<hbm>>
    %dma_start3A_3 = tpu.memref_slice %arg2[%mul3A_2] : memref<16384xi32, #tpu.memory_space<hbm>> -> memref<512xi32, #tpu.memory_space<hbm>>
    tpu.enqueue_dma source(%dma_start3A_3 : memref<512xi32, #tpu.memory_space<hbm>>) target(%arg13 : memref<512xi32, #tpu.memory_space<vmem>>) target_semaphore(%arg27 : memref<!tpu.dma_semaphore, #tpu.memory_space<semaphore_mem>>)
    %dma_start3A_4 = tpu.memref_slice %arg3[%mul3A_2] : memref<16384xi32, #tpu.memory_space<hbm>> -> memref<512xi32, #tpu.memory_space<hbm>>
    %dma_start3A_5 = tpu.memref_slice %arg3[%mul3A_2] : memref<16384xi32, #tpu.memory_space<hbm>> -> memref<512xi32, #tpu.memory_space<hbm>>
    tpu.enqueue_dma source(%dma_start3A_5 : memref<512xi32, #tpu.memory_space<hbm>>) target(%arg14 : memref<512xi32, #tpu.memory_space<vmem>>) target_semaphore(%arg27 : memref<!tpu.dma_semaphore, #tpu.memory_space<semaphore_mem>>)
    %dma_start3A_6 = tpu.memref_slice %arg4[%mul3A_2] : memref<16384xi32, #tpu.memory_space<hbm>> -> memref<512xi32, #tpu.memory_space<hbm>>
    %dma_start3A_7 = tpu.memref_slice %arg4[%mul3A_2] : memref<16384xi32, #tpu.memory_space<hbm>> -> memref<512xi32, #tpu.memory_space<hbm>>
    tpu.enqueue_dma source(%dma_start3A_7 : memref<512xi32, #tpu.memory_space<hbm>>) target(%arg15 : memref<512xi32, #tpu.memory_space<vmem>>) target_semaphore(%arg27 : memref<!tpu.dma_semaphore, #tpu.memory_space<semaphore_mem>>)
    %dma_start3A_8 = tpu.memref_slice %arg5[%mul3A_2] : memref<16384xi32, #tpu.memory_space<hbm>> -> memref<512xi32, #tpu.memory_space<hbm>>
    %dma_start3A_9 = tpu.memref_slice %arg5[%mul3A_2] : memref<16384xi32, #tpu.memory_space<hbm>> -> memref<512xi32, #tpu.memory_space<hbm>>
    tpu.enqueue_dma source(%dma_start3A_9 : memref<512xi32, #tpu.memory_space<hbm>>) target(%arg16 : memref<512xi32, #tpu.memory_space<vmem>>) target_semaphore(%arg27 : memref<!tpu.dma_semaphore, #tpu.memory_space<semaphore_mem>>)
    %dma_start3A_10 = arith.constant 0 : i32
    %dma_start3A_11 = tpu.memref_slice %arg21[%dma_start3A_10] : memref<1024xf32, #tpu.memory_space<vmem>> -> memref<1000xf32, #tpu.memory_space<vmem>>
    %dma_start3A_12 = arith.constant 0 : i32
    %dma_start3A_13 = tpu.memref_slice %arg21[%dma_start3A_12] : memref<1024xf32, #tpu.memory_space<vmem>> -> memref<1000xf32, #tpu.memory_space<vmem>>
    tpu.enqueue_dma source(%arg6 : memref<1000xf32, #tpu.memory_space<hbm>>) target(%dma_start3A_13 : memref<1000xf32, #tpu.memory_space<vmem>>) target_semaphore(%arg27 : memref<!tpu.dma_semaphore, #tpu.memory_space<semaphore_mem>>)
    %dma_start3A_14 = arith.constant 0 : i32
    %dma_start3A_15 = tpu.memref_slice %arg22[%dma_start3A_14] : memref<1024xf32, #tpu.memory_space<vmem>> -> memref<1000xf32, #tpu.memory_space<vmem>>
    %dma_start3A_16 = arith.constant 0 : i32
    %dma_start3A_17 = tpu.memref_slice %arg22[%dma_start3A_16] : memref<1024xf32, #tpu.memory_space<vmem>> -> memref<1000xf32, #tpu.memory_space<vmem>>
    tpu.enqueue_dma source(%arg7 : memref<1000xf32, #tpu.memory_space<hbm>>) target(%dma_start3A_17 : memref<1000xf32, #tpu.memory_space<vmem>>) target_semaphore(%arg27 : memref<!tpu.dma_semaphore, #tpu.memory_space<semaphore_mem>>)
    %dma_start3A_18 = arith.constant 0 : i32
    %dma_start3A_19 = tpu.memref_slice %arg23[%dma_start3A_18] : memref<64xf32, #tpu.memory_space<vmem>> -> memref<50xf32, #tpu.memory_space<vmem>>
    %dma_start3A_20 = arith.constant 0 : i32
    %dma_start3A_21 = tpu.memref_slice %arg23[%dma_start3A_20] : memref<64xf32, #tpu.memory_space<vmem>> -> memref<50xf32, #tpu.memory_space<vmem>>
    tpu.enqueue_dma source(%arg8 : memref<50xf32, #tpu.memory_space<hbm>>) target(%dma_start3A_21 : memref<50xf32, #tpu.memory_space<vmem>>) target_semaphore(%arg27 : memref<!tpu.dma_semaphore, #tpu.memory_space<semaphore_mem>>)
    %dma_wait3A = tpu.memref_slice %arg2[%mul3A_2] : memref<16384xi32, #tpu.memory_space<hbm>> -> memref<512xi32, #tpu.memory_space<hbm>>
    %dma_wait3A_22 = tpu.memref_slice %arg2[%mul3A_2] : memref<16384xi32, #tpu.memory_space<hbm>> -> memref<512xi32, #tpu.memory_space<hbm>>
    tpu.wait_dma2 semaphore(%arg27 : memref<!tpu.dma_semaphore, #tpu.memory_space<semaphore_mem>>) src(%dma_wait3A_22 : memref<512xi32, #tpu.memory_space<hbm>>) dst(%arg13 : memref<512xi32, #tpu.memory_space<vmem>>)
    %dma_wait3A_23 = tpu.memref_slice %arg3[%mul3A_2] : memref<16384xi32, #tpu.memory_space<hbm>> -> memref<512xi32, #tpu.memory_space<hbm>>
    %dma_wait3A_24 = tpu.memref_slice %arg3[%mul3A_2] : memref<16384xi32, #tpu.memory_space<hbm>> -> memref<512xi32, #tpu.memory_space<hbm>>
    tpu.wait_dma2 semaphore(%arg27 : memref<!tpu.dma_semaphore, #tpu.memory_space<semaphore_mem>>) src(%dma_wait3A_24 : memref<512xi32, #tpu.memory_space<hbm>>) dst(%arg14 : memref<512xi32, #tpu.memory_space<vmem>>)
    %dma_wait3A_25 = tpu.memref_slice %arg4[%mul3A_2] : memref<16384xi32, #tpu.memory_space<hbm>> -> memref<512xi32, #tpu.memory_space<hbm>>
    %dma_wait3A_26 = tpu.memref_slice %arg4[%mul3A_2] : memref<16384xi32, #tpu.memory_space<hbm>> -> memref<512xi32, #tpu.memory_space<hbm>>
    tpu.wait_dma2 semaphore(%arg27 : memref<!tpu.dma_semaphore, #tpu.memory_space<semaphore_mem>>) src(%dma_wait3A_26 : memref<512xi32, #tpu.memory_space<hbm>>) dst(%arg15 : memref<512xi32, #tpu.memory_space<vmem>>)
    %dma_wait3A_27 = tpu.memref_slice %arg5[%mul3A_2] : memref<16384xi32, #tpu.memory_space<hbm>> -> memref<512xi32, #tpu.memory_space<hbm>>
    %dma_wait3A_28 = tpu.memref_slice %arg5[%mul3A_2] : memref<16384xi32, #tpu.memory_space<hbm>> -> memref<512xi32, #tpu.memory_space<hbm>>
    tpu.wait_dma2 semaphore(%arg27 : memref<!tpu.dma_semaphore, #tpu.memory_space<semaphore_mem>>) src(%dma_wait3A_28 : memref<512xi32, #tpu.memory_space<hbm>>) dst(%arg16 : memref<512xi32, #tpu.memory_space<vmem>>)
    %dma_start3A_29 = arith.constant 0 : i32
    %dma_start3A_30 = tpu.memref_slice %arg9[%dma_start3A_29] : memref<1000000xf32, #tpu.memory_space<hbm>> -> memref<1000000xf32, #tpu.memory_space<hbm>>
    tpu.enqueue_indirect_dma source(%dma_start3A_30 : memref<1000000xf32, #tpu.memory_space<hbm>>) target(%arg17 : memref<512xf32, #tpu.memory_space<vmem>>) offsets(%arg15 : memref<512xi32, #tpu.memory_space<vmem>>) semaphore(%arg26 : memref<!tpu.dma_semaphore, #tpu.memory_space<semaphore_mem>>)
    %dma_start3A_31 = arith.constant 0 : i32
    %dma_start3A_32 = tpu.memref_slice %arg9[%dma_start3A_31] : memref<1000000xf32, #tpu.memory_space<hbm>> -> memref<1000000xf32, #tpu.memory_space<hbm>>
    tpu.enqueue_indirect_dma source(%dma_start3A_32 : memref<1000000xf32, #tpu.memory_space<hbm>>) target(%arg18 : memref<512xf32, #tpu.memory_space<vmem>>) offsets(%arg16 : memref<512xi32, #tpu.memory_space<vmem>>) semaphore(%arg26 : memref<!tpu.dma_semaphore, #tpu.memory_space<semaphore_mem>>)
    %dma_start3A_33 = arith.constant 0 : i32
    %dma_start3A_34 = tpu.memref_slice %arg10[%dma_start3A_33] : memref<1000000xf32, #tpu.memory_space<hbm>> -> memref<1000000xf32, #tpu.memory_space<hbm>>
    tpu.enqueue_indirect_dma source(%dma_start3A_34 : memref<1000000xf32, #tpu.memory_space<hbm>>) target(%arg19 : memref<512xf32, #tpu.memory_space<vmem>>) offsets(%arg15 : memref<512xi32, #tpu.memory_space<vmem>>) semaphore(%arg26 : memref<!tpu.dma_semaphore, #tpu.memory_space<semaphore_mem>>)
    %dma_start3A_35 = arith.constant 0 : i32
    %dma_start3A_36 = tpu.memref_slice %arg10[%dma_start3A_35] : memref<1000000xf32, #tpu.memory_space<hbm>> -> memref<1000000xf32, #tpu.memory_space<hbm>>
    tpu.enqueue_indirect_dma source(%dma_start3A_36 : memref<1000000xf32, #tpu.memory_space<hbm>>) target(%arg20 : memref<512xf32, #tpu.memory_space<vmem>>) offsets(%arg16 : memref<512xi32, #tpu.memory_space<vmem>>) semaphore(%arg26 : memref<!tpu.dma_semaphore, #tpu.memory_space<semaphore_mem>>)
    %dma_wait3A_37 = arith.constant 0 : i32
    %dma_wait3A_38 = tpu.memref_slice %arg21[%dma_wait3A_37] : memref<1024xf32, #tpu.memory_space<vmem>> -> memref<1000xf32, #tpu.memory_space<vmem>>
    %dma_wait3A_39 = arith.constant 0 : i32
    %dma_wait3A_40 = tpu.memref_slice %arg21[%dma_wait3A_39] : memref<1024xf32, #tpu.memory_space<vmem>> -> memref<1000xf32, #tpu.memory_space<vmem>>
    tpu.wait_dma2 semaphore(%arg27 : memref<!tpu.dma_semaphore, #tpu.memory_space<semaphore_mem>>) src(%arg6 : memref<1000xf32, #tpu.memory_space<hbm>>) dst(%dma_wait3A_40 : memref<1000xf32, #tpu.memory_space<vmem>>)
    %dma_wait3A_41 = arith.constant 0 : i32
    %dma_wait3A_42 = tpu.memref_slice %arg22[%dma_wait3A_41] : memref<1024xf32, #tpu.memory_space<vmem>> -> memref<1000xf32, #tpu.memory_space<vmem>>
    %dma_wait3A_43 = arith.constant 0 : i32
    %dma_wait3A_44 = tpu.memref_slice %arg22[%dma_wait3A_43] : memref<1024xf32, #tpu.memory_space<vmem>> -> memref<1000xf32, #tpu.memory_space<vmem>>
    tpu.wait_dma2 semaphore(%arg27 : memref<!tpu.dma_semaphore, #tpu.memory_space<semaphore_mem>>) src(%arg7 : memref<1000xf32, #tpu.memory_space<hbm>>) dst(%dma_wait3A_44 : memref<1000xf32, #tpu.memory_space<vmem>>)
    %dma_wait3A_45 = arith.constant 0 : i32
    %dma_wait3A_46 = tpu.memref_slice %arg23[%dma_wait3A_45] : memref<64xf32, #tpu.memory_space<vmem>> -> memref<50xf32, #tpu.memory_space<vmem>>
    %dma_wait3A_47 = arith.constant 0 : i32
    %dma_wait3A_48 = tpu.memref_slice %arg23[%dma_wait3A_47] : memref<64xf32, #tpu.memory_space<vmem>> -> memref<50xf32, #tpu.memory_space<vmem>>
    tpu.wait_dma2 semaphore(%arg27 : memref<!tpu.dma_semaphore, #tpu.memory_space<semaphore_mem>>) src(%arg8 : memref<50xf32, #tpu.memory_space<hbm>>) dst(%dma_wait3A_48 : memref<50xf32, #tpu.memory_space<vmem>>)
    %dma_wait3A_49 = arith.constant 0 : i32
    %dma_wait3A_50 = tpu.memref_slice %arg9[%dma_wait3A_49] : memref<1000000xf32, #tpu.memory_space<hbm>> -> memref<1000000xf32, #tpu.memory_space<hbm>>
    tpu.wait_indirect_dma semaphore(%arg26 : memref<!tpu.dma_semaphore, #tpu.memory_space<semaphore_mem>>) src(%dma_wait3A_50 : memref<1000000xf32, #tpu.memory_space<hbm>>) dst(%arg17 : memref<512xf32, #tpu.memory_space<vmem>>)
    %dma_wait3A_51 = arith.constant 0 : i32
    %dma_wait3A_52 = tpu.memref_slice %arg9[%dma_wait3A_51] : memref<1000000xf32, #tpu.memory_space<hbm>> -> memref<1000000xf32, #tpu.memory_space<hbm>>
    tpu.wait_indirect_dma semaphore(%arg26 : memref<!tpu.dma_semaphore, #tpu.memory_space<semaphore_mem>>) src(%dma_wait3A_52 : memref<1000000xf32, #tpu.memory_space<hbm>>) dst(%arg18 : memref<512xf32, #tpu.memory_space<vmem>>)
    %dma_wait3A_53 = arith.constant 0 : i32
    %dma_wait3A_54 = tpu.memref_slice %arg10[%dma_wait3A_53] : memref<1000000xf32, #tpu.memory_space<hbm>> -> memref<1000000xf32, #tpu.memory_space<hbm>>
    tpu.wait_indirect_dma semaphore(%arg26 : memref<!tpu.dma_semaphore, #tpu.memory_space<semaphore_mem>>) src(%dma_wait3A_54 : memref<1000000xf32, #tpu.memory_space<hbm>>) dst(%arg19 : memref<512xf32, #tpu.memory_space<vmem>>)
    %dma_wait3A_55 = arith.constant 0 : i32
    %dma_wait3A_56 = tpu.memref_slice %arg10[%dma_wait3A_55] : memref<1000000xf32, #tpu.memory_space<hbm>> -> memref<1000000xf32, #tpu.memory_space<hbm>>
    tpu.wait_indirect_dma semaphore(%arg26 : memref<!tpu.dma_semaphore, #tpu.memory_space<semaphore_mem>>) src(%dma_wait3A_56 : memref<1000000xf32, #tpu.memory_space<hbm>>) dst(%arg20 : memref<512xf32, #tpu.memory_space<vmem>>)
    %parallel_loop3A = arith.constant 0 : i32
    %parallel_loop3A_57 = arith.constant 512 : i32
    %parallel_loop3A_58 = arith.constant 16 : i32
    scf.for %parallel_loop3A_59 = %parallel_loop3A to %parallel_loop3A_57 step %parallel_loop3A_58  : i32 {
      %parallel_loop3A_60 = arith.index_cast %parallel_loop3A_59 : i32 to index
      %parallel_loop3A_61 = tpu.vector_load %arg13[%parallel_loop3A_60] {strides = array<i32>} : memref<512xi32, #tpu.memory_space<vmem>>, vector<16xi32>,
      %parallel_loop3A_62 = arith.index_cast %parallel_loop3A_59 : i32 to index
      %parallel_loop3A_63 = tpu.vector_load %arg14[%parallel_loop3A_62] {strides = array<i32>} : memref<512xi32, #tpu.memory_space<vmem>>, vector<16xi32>,
      %parallel_loop3A_64 = tpu.vector_load_idx %arg21[%parallel_loop3A_61] : memref<1024xf32, #tpu.memory_space<vmem>>[vector<16xi32>], vector<16xf32>,
      %parallel_loop3A_65 = tpu.vector_load_idx %arg22[%parallel_loop3A_61] : memref<1024xf32, #tpu.memory_space<vmem>>[vector<16xi32>], vector<16xf32>,
      %parallel_loop3A_66 = tpu.vector_load_idx %arg23[%parallel_loop3A_63] : memref<64xf32, #tpu.memory_space<vmem>>[vector<16xi32>], vector<16xf32>,
      %parallel_loop3A_67 = arith.addf %parallel_loop3A_64, %parallel_loop3A_66 : vector<16xf32>
      %parallel_loop3A_68 = arith.addf %parallel_loop3A_67, %parallel_loop3A_65 : vector<16xf32>
      %parallel_loop3A_69 = arith.index_cast %parallel_loop3A_59 : i32 to index
      %parallel_loop3A_70 = tpu.vector_load %arg17[%parallel_loop3A_69] {strides = array<i32>} : memref<512xf32, #tpu.memory_space<vmem>>, vector<16xf32>,
      %parallel_loop3A_71 = arith.addf %parallel_loop3A_68, %parallel_loop3A_70 : vector<16xf32>
      %parallel_loop3A_72 = arith.index_cast %parallel_loop3A_59 : i32 to index
      %parallel_loop3A_73 = tpu.vector_load %arg20[%parallel_loop3A_72] {strides = array<i32>} : memref<512xf32, #tpu.memory_space<vmem>>, vector<16xf32>,
      %parallel_loop3A_74 = arith.subf %parallel_loop3A_71, %parallel_loop3A_73 : vector<16xf32>
      %parallel_loop3A_75 = arith.index_cast %parallel_loop3A_59 : i32 to index
      %parallel_loop3A_76 = tpu.vector_load %arg24[%parallel_loop3A_75] {strides = array<i32>} : memref<512xf32, #tpu.memory_space<vmem>>, vector<16xf32>,
      tpu.vector_store %arg24[%parallel_loop3A_75], %parallel_loop3A_74 {strides = array<i32>} : memref<512xf32, #tpu.memory_space<vmem>>, vector<16xf32>,
      %parallel_loop3A_77 = arith.index_cast %parallel_loop3A_59 : i32 to index
      %parallel_loop3A_78 = tpu.vector_load %arg18[%parallel_loop3A_77] {strides = array<i32>} : memref<512xf32, #tpu.memory_space<vmem>>, vector<16xf32>,
      %parallel_loop3A_79 = arith.addf %parallel_loop3A_67, %parallel_loop3A_78 : vector<16xf32>
      %parallel_loop3A_80 = arith.index_cast %parallel_loop3A_59 : i32 to index
      %parallel_loop3A_81 = tpu.vector_load %arg19[%parallel_loop3A_80] {strides = array<i32>} : memref<512xf32, #tpu.memory_space<vmem>>, vector<16xf32>,
      %parallel_loop3A_82 = arith.subf %parallel_loop3A_79, %parallel_loop3A_81 : vector<16xf32>
      %parallel_loop3A_83 = arith.index_cast %parallel_loop3A_59 : i32 to index
      %parallel_loop3A_84 = tpu.vector_load %arg25[%parallel_loop3A_83] {strides = array<i32>} : memref<512xf32, #tpu.memory_space<vmem>>, vector<16xf32>,
      tpu.vector_store %arg25[%parallel_loop3A_83], %parallel_loop3A_82 {strides = array<i32>} : memref<512xf32, #tpu.memory_space<vmem>>, vector<16xf32>,
    } {sc.loop_unroll_factor = 1 : i64, sc.parallel_access}
    "tpu.region"() ({
      %run_scoped3A = tpu.sem_alloc : memref<!tpu.dma_semaphore, #tpu.memory_space<semaphore_mem>>
      %dma_start3A_59 = tpu.memref_slice %arg11[%mul3A_2] : memref<16384xf32, #tpu.memory_space<hbm>> -> memref<512xf32, #tpu.memory_space<hbm>>
      %dma_start3A_60 = tpu.memref_slice %arg11[%mul3A_2] : memref<16384xf32, #tpu.memory_space<hbm>> -> memref<512xf32, #tpu.memory_space<hbm>>
      tpu.enqueue_dma source(%arg24 : memref<512xf32, #tpu.memory_space<vmem>>) target(%dma_start3A_60 : memref<512xf32, #tpu.memory_space<hbm>>) target_semaphore(%run_scoped3A : memref<!tpu.dma_semaphore, #tpu.memory_space<semaphore_mem>>)
      %dma_wait3A_61 = tpu.memref_slice %arg11[%mul3A_2] : memref<16384xf32, #tpu.memory_space<hbm>> -> memref<512xf32, #tpu.memory_space<hbm>>
      %dma_wait3A_62 = tpu.memref_slice %arg11[%mul3A_2] : memref<16384xf32, #tpu.memory_space<hbm>> -> memref<512xf32, #tpu.memory_space<hbm>>
      tpu.wait_dma2 semaphore(%run_scoped3A : memref<!tpu.dma_semaphore, #tpu.memory_space<semaphore_mem>>) src(%arg24 : memref<512xf32, #tpu.memory_space<vmem>>) dst(%dma_wait3A_62 : memref<512xf32, #tpu.memory_space<hbm>>)
      tpu.yield
    }) : () -> ()
    "tpu.region"() ({
      %run_scoped3A = tpu.sem_alloc : memref<!tpu.dma_semaphore, #tpu.memory_space<semaphore_mem>>
      %dma_start3A_59 = tpu.memref_slice %arg12[%mul3A_2] : memref<16384xf32, #tpu.memory_space<hbm>> -> memref<512xf32, #tpu.memory_space<hbm>>
      %dma_start3A_60 = tpu.memref_slice %arg12[%mul3A_2] : memref<16384xf32, #tpu.memory_space<hbm>> -> memref<512xf32, #tpu.memory_space<hbm>>
      tpu.enqueue_dma source(%arg25 : memref<512xf32, #tpu.memory_space<vmem>>) target(%dma_start3A_60 : memref<512xf32, #tpu.memory_space<hbm>>) target_semaphore(%run_scoped3A : memref<!tpu.dma_semaphore, #tpu.memory_space<semaphore_mem>>)
      %dma_wait3A_61 = tpu.memref_slice %arg12[%mul3A_2] : memref<16384xf32, #tpu.memory_space<hbm>> -> memref<512xf32, #tpu.memory_space<hbm>>
      %dma_wait3A_62 = tpu.memref_slice %arg12[%mul3A_2] : memref<16384xf32, #tpu.memory_space<hbm>> -> memref<512xf32, #tpu.memory_space<hbm>>
      tpu.wait_dma2 semaphore(%run_scoped3A : memref<!tpu.dma_semaphore, #tpu.memory_space<semaphore_mem>>) src(%arg25 : memref<512xf32, #tpu.memory_space<vmem>>) dst(%dma_wait3A_62 : memref<512xf32, #tpu.memory_space<hbm>>)
      tpu.yield
    }) : () -> ()
    return
  }
}

module attributes {stable_mosaic.version = 14 : i64} {
  func.func @_tc_lin_kernel(%arg0: i32, %arg1: memref<64x2048xf32, #tpu.memory_space<vmem>>, %arg2: memref<64x2048xf32, #tpu.memory_space<vmem>>, %arg3: memref<64x1xf32, #tpu.memory_space<vmem>>, %arg4: memref<64x1xf32, #tpu.memory_space<vmem>>, %arg5: memref<16x128xf32, #tpu.memory_space<vmem>>, %arg6: memref<16x128xf32, #tpu.memory_space<vmem>>) attributes {dimension_semantics = [#tpu.dimension_semantics<arbitrary>], iteration_bounds = array<i64: 8>, scalar_prefetch = 0 : i64, scratch_operands = 0 : i64, tpu.core_type = #tpu.core_type<tc>, window_params = [{transform_indices = @transform_0, window_bounds = array<i64: 64, 2048>}, {transform_indices = @transform_1, window_bounds = array<i64: 64, 2048>}, {pipeline_mode = #tpu.pipeline_mode<synchronous>, transform_indices = @transform_2, window_bounds = array<i64: 64, 1>}, {pipeline_mode = #tpu.pipeline_mode<synchronous>, transform_indices = @transform_3, window_bounds = array<i64: 64, 1>}, {transform_indices = @transform_4, window_bounds = array<i64: 16, 128>}, {transform_indices = @transform_5, window_bounds = array<i64: 16, 128>}]} {
    %get3A = arith.constant 0 : index
    %get3A_0 = arith.constant 0 : index
    %get3A_1 = vector.load %arg1[%get3A, %get3A_0] : memref<64x2048xf32, #tpu.memory_space<vmem>>, vector<64x2048xf32>
    %get3A_2 = arith.constant 0 : index
    %get3A_3 = arith.constant 0 : index
    %get3A_4 = vector.load %arg3[%get3A_2, %get3A_3] : memref<64x1xf32, #tpu.memory_space<vmem>>, vector<64x1xf32>
    %mul3A = vector.broadcast %get3A_4 : vector<64x1xf32> to vector<64x2048xf32>
    %mul3A_5 = arith.mulf %get3A_1, %mul3A : vector<64x2048xf32>
    %reduce_sum3A = arith.constant dense<0.000000e+00> : vector<2048xf32>
    %reduce_sum3A_6 = vector.multi_reduction <add>, %mul3A_5, %reduce_sum3A [0] : vector<64x2048xf32> to vector<2048xf32>
    %reshape3A = vector.shape_cast %reduce_sum3A_6 : vector<2048xf32> to vector<16x128xf32>
    %swap3A = arith.constant 0 : index
    %swap3A_7 = arith.constant 0 : index
    %swap3A_8 = vector.load %arg5[%swap3A, %swap3A_7] : memref<16x128xf32, #tpu.memory_space<vmem>>, vector<16x128xf32>
    tpu.vector_store %arg5[%swap3A, %swap3A_7], %reshape3A {strides = array<i32>} : memref<16x128xf32, #tpu.memory_space<vmem>>, vector<16x128xf32>,
    %get3A_9 = arith.constant 0 : index
    %get3A_10 = arith.constant 0 : index
    %get3A_11 = vector.load %arg2[%get3A_9, %get3A_10] : memref<64x2048xf32, #tpu.memory_space<vmem>>, vector<64x2048xf32>
    %get3A_12 = arith.constant 0 : index
    %get3A_13 = arith.constant 0 : index
    %get3A_14 = vector.load %arg4[%get3A_12, %get3A_13] : memref<64x1xf32, #tpu.memory_space<vmem>>, vector<64x1xf32>
    %mul3A_15 = vector.broadcast %get3A_14 : vector<64x1xf32> to vector<64x2048xf32>
    %mul3A_16 = arith.mulf %get3A_11, %mul3A_15 : vector<64x2048xf32>
    %reduce_sum3A_17 = arith.constant dense<0.000000e+00> : vector<2048xf32>
    %reduce_sum3A_18 = vector.multi_reduction <add>, %mul3A_16, %reduce_sum3A_17 [0] : vector<64x2048xf32> to vector<2048xf32>
    %reshape3A_19 = vector.shape_cast %reduce_sum3A_18 : vector<2048xf32> to vector<16x128xf32>
    %swap3A_20 = arith.constant 0 : index
    %swap3A_21 = arith.constant 0 : index
    %swap3A_22 = vector.load %arg6[%swap3A_20, %swap3A_21] : memref<16x128xf32, #tpu.memory_space<vmem>>, vector<16x128xf32>
    tpu.vector_store %arg6[%swap3A_20, %swap3A_21], %reshape3A_19 {strides = array<i32>} : memref<16x128xf32, #tpu.memory_space<vmem>>, vector<16x128xf32>,
    return
  }
  func.func @transform_0(%arg0: i32) -> (i32, i32) {
    %c0_i32 = arith.constant 0 : i32
    %c0_i32_0 = arith.constant 0 : i32
    return %c0_i32, %arg0 : i32, i32
  }
  func.func @transform_1(%arg0: i32) -> (i32, i32) {
    %c0_i32 = arith.constant 0 : i32
    %c0_i32_0 = arith.constant 0 : i32
    return %c0_i32, %arg0 : i32, i32
  }
  func.func @transform_2(%arg0: i32) -> (i32, i32) {
    %c0_i32 = arith.constant 0 : i32
    %c0_i32_0 = arith.constant 0 : i32
    %c0_i32_1 = arith.constant 0 : i32
    return %c0_i32, %c0_i32_0 : i32, i32
  }
  func.func @transform_3(%arg0: i32) -> (i32, i32) {
    %c0_i32 = arith.constant 0 : i32
    %c0_i32_0 = arith.constant 0 : i32
    %c0_i32_1 = arith.constant 0 : i32
    return %c0_i32, %c0_i32_0 : i32, i32
  }
  func.func @transform_4(%arg0: i32) -> (i32, i32) {
    %c0_i32 = arith.constant 0 : i32
    %c0_i32_0 = arith.constant 0 : i32
    return %arg0, %c0_i32 : i32, i32
  }
  func.func @transform_5(%arg0: i32) -> (i32, i32) {
    %c0_i32 = arith.constant 0 : i32
    %c0_i32_0 = arith.constant 0 : i32
    return %arg0, %c0_i32 : i32, i32
  }
}

module attributes {stable_mosaic.version = 14 : i64} {
  func.func @_tc_final_kernel(%arg0: memref<1x1xf32, #tpu.memory_space<vmem>>, %arg1: memref<128x128xf32, #tpu.memory_space<vmem>>, %arg2: memref<128x128xf32, #tpu.memory_space<vmem>>, %arg3: memref<128x128xf32, #tpu.memory_space<vmem>>, %arg4: memref<128x128xf32, #tpu.memory_space<vmem>>, %arg5: memref<128x128xf32, #tpu.memory_space<vmem>>, %arg6: memref<128x128xf32, #tpu.memory_space<vmem>>) attributes {dimension_semantics = [], scalar_prefetch = 0 : i64, scratch_operands = 0 : i64, tpu.core_type = #tpu.core_type<tc>} {
    %get3A = arith.constant 0 : index
    %get3A_0 = arith.constant 0 : index
    %get3A_1 = vector.load %arg0[%get3A, %get3A_0] : memref<1x1xf32, #tpu.memory_space<vmem>>, vector<1x1xf32>
    %get3A_2 = vector.extract %get3A_1[0, 0] : f32 from vector<1x1xf32>
    %get3A_3 = arith.constant 0 : index
    %get3A_4 = arith.constant 0 : index
    %get3A_5 = vector.load %arg1[%get3A_3, %get3A_4] : memref<128x128xf32, #tpu.memory_space<vmem>>, vector<128x128xf32>
    %add3A = vector.broadcast %get3A_2 : f32 to vector<128x128xf32>
    %add3A_6 = arith.addf %get3A_5, %add3A : vector<128x128xf32>
    %get3A_7 = arith.constant 0 : index
    %get3A_8 = arith.constant 0 : index
    %get3A_9 = vector.load %arg3[%get3A_7, %get3A_8] : memref<128x128xf32, #tpu.memory_space<vmem>>, vector<128x128xf32>
    %add3A_10 = arith.addf %add3A_6, %get3A_9 : vector<128x128xf32>
    %jit3A = arith.constant -1.000000e+01 : f32
    %jit3A_11 = arith.constant 1.000000e+01 : f32
    %max3A = vector.broadcast %jit3A : f32 to vector<128x128xf32>
    %max3A_12 = arith.maximumf %max3A, %add3A_10 : vector<128x128xf32>
    %min3A = vector.broadcast %jit3A_11 : f32 to vector<128x128xf32>
    %min3A_13 = arith.minimumf %min3A, %max3A_12 : vector<128x128xf32>
    %get3A_14 = arith.constant 0 : index
    %get3A_15 = arith.constant 0 : index
    %get3A_16 = vector.load %arg2[%get3A_14, %get3A_15] : memref<128x128xf32, #tpu.memory_space<vmem>>, vector<128x128xf32>
    %add3A_17 = vector.broadcast %get3A_2 : f32 to vector<128x128xf32>
    %add3A_18 = arith.addf %get3A_16, %add3A_17 : vector<128x128xf32>
    %get3A_19 = arith.constant 0 : index
    %get3A_20 = arith.constant 0 : index
    %get3A_21 = vector.load %arg4[%get3A_19, %get3A_20] : memref<128x128xf32, #tpu.memory_space<vmem>>, vector<128x128xf32>
    %add3A_22 = arith.addf %add3A_18, %get3A_21 : vector<128x128xf32>
    %jit3A_23 = arith.constant -1.000000e+01 : f32
    %jit3A_24 = arith.constant 1.000000e+01 : f32
    %max3A_25 = vector.broadcast %jit3A_23 : f32 to vector<128x128xf32>
    %max3A_26 = arith.maximumf %max3A_25, %add3A_22 : vector<128x128xf32>
    %min3A_27 = vector.broadcast %jit3A_24 : f32 to vector<128x128xf32>
    %min3A_28 = arith.minimumf %min3A_27, %max3A_26 : vector<128x128xf32>
    %exp3A = math.exp %min3A_13 : vector<128x128xf32>
    %swap3A = arith.constant 0 : index
    %swap3A_29 = arith.constant 0 : index
    %swap3A_30 = vector.load %arg5[%swap3A, %swap3A_29] : memref<128x128xf32, #tpu.memory_space<vmem>>, vector<128x128xf32>
    tpu.vector_store %arg5[%swap3A, %swap3A_29], %exp3A {strides = array<i32>} : memref<128x128xf32, #tpu.memory_space<vmem>>, vector<128x128xf32>,
    %exp3A_31 = math.exp %min3A_28 : vector<128x128xf32>
    %swap3A_32 = arith.constant 0 : index
    %swap3A_33 = arith.constant 0 : index
    %swap3A_34 = vector.load %arg6[%swap3A_32, %swap3A_33] : memref<128x128xf32, #tpu.memory_space<vmem>>, vector<128x128xf32>
    tpu.vector_store %arg6[%swap3A_32, %swap3A_33], %exp3A_31 {strides = array<i32>} : memref<128x128xf32, #tpu.memory_space<vmem>>, vector<128x128xf32>,
    return
  }
}

</mosaic_0001>

<sc_bundles>
// kernel: kernel.5.cloned.1.call-start
scs
__scs_entry_jumppad:
0x0: {  	(pc) =	sbr.rel $0x88, $3  }
0x1: {  	(tag) =	ssettag $0x0;
	lr =	simm.s32 $0x1  }
0x2: {  	[smem:$0x3F93] =	sst lr;
	_ =	strace $0xD0000000  }
0x3: {  	_ = 	snop  }
0x4: {  	_ = 	snop  }
0x5: {  	_ = 	snop  }
0x6: {  	_ = 	snop  }
0x7: {  	_ = 	snop  }
__scs_overlays_trampoline_lowered:
0x8: {  	[smem:$0x3FA2] =	sst s0  }
0x9: {  	[smem:$0x3FA3] =	sst s1  }
0xa: {  	[smem:$0x3FA4] =	sst s2  }
0xb: {  	[smem:$0x3FA5] =	sst s3  }
0xc: {  	[smem:$0x3FA6] =	sst s4  }
0xd: {  	[smem:$0x3FA7] =	sst s5  }
0xe: {  	[smem:$0x3FA8] =	sst s6  }
0xf: {  	[smem:$0x3FA9] =	sst s7  }
0x10: {  	[smem:$0x3FAA] =	sst s8  }
0x11: {  	[smem:$0x3FAB] =	sst s9;
	s0 =	simm.s32 @!p0 $0x0  }
0x12: {  	s1 =	sld [smem:$0x3F91];
	s0 =	simm.s32 @p0 $0x1  }
0x13: {  	[smem:$0x3FAC] =	sst s0;
	s0 =	simm.s32 @!p1 $0x0  }
0x14: {  	s2 =	sld [smem:$0x3F90];
	s0 =	simm.s32 @p1 $0x1  }
0x15: {  	[smem:$0x3FAD] =	sst s0;
	s0 =	simm.s32 @!p2 $0x0  }
0x16: {  	s3 =	sld [smem:$0x3FDB];
	s0 =	simm.s32 @p2 $0x1  }
0x17: {  	s4 =	simm.s32 $0x1BF5;
	[smem:$0x3FAF] =	sst s0  }
0x18: {  	s0 =	sld [smem:$0x3F92];
	_ =	swait.ge [sflag:s4], $0x0  }
0x19: {  	s7 =	sld [smem:$0x3F93]  }
0x1a: {  	s8 =	sadd.s32 $0xFFFFE003, lr  }
0x1b: {  	s9 =	sadd.s32 $0xFFFFFEF7, lr;
	s5 =	simm.s32 $0xFFFFFFFF;
	p2 =	slt.u32 s8, $0xFFFFF086  }
0x1c: {  	p1 =	slt.u32 s9, $0xF7A;
	s5 =	simm.s32 @!p2 $0x0  }
0x1d: {  	s5 =	simm.s32 @p1 $0x1;
	p0 =	seq.s32 s7, s2  }
0x1e: {  	s7 =	smul.u32 @!p0 $0xF7A, s2;
	p2 =	seq.s32 @!p0 s5, $0x0  }
0x1f: {  	s9 =	smul.u32 $0xF7A, s1;
	s8 =	simm.s32 @!p0 $0x1BF5;
	p2 =	por !p2, p0  }
0x20: {  	[sflag:s8] =	ssyncset.s32 @!p0 $0xFFFFF086;
	s6 =	sadd.s32 @!p0 s3, s7;
	s7 =	simm.s32 @!p0 $0x108  }
0x21: {  	s3 =	sadd.s32 s3, s9;
	s6 =	sadd.s32 @!p0 $0x88, s6;
	s7 =	simm.s32 @p2 $0x1082  }
0x22: {  	[simem:s7], [sflag:s8] =	dma.local @!p0 [hbm:s6], $0xF7A  }
0x23: {  	s9 =	sor.u32 $0xD0000000, s2;
	s6 =	simm.s32 $0x108;
	_ =	swait.ge @!p0 [sflag:s8], $0x0  }
0x24: {  	s3 =	sadd.s32 $0x88, s3;
	s6 =	simm.s32 @!p1 $0x1082;
	[sflag:s4] =	ssyncset.s32 $0xFFFFF086  }
0x25: {  	[simem:s6], [sflag:s4] =	dma.local [hbm:s3], $0xF7A  }
0x26: {  	[smem:$0x3F93] =	sst s1;
	(tag) =	ssettag s2;
	_ =	strace s9  }
0x27: {  	s1 =	sld [smem:$0x3FA3]  }
0x28: {  	s2 =	sld [smem:$0x3FA4]  }
0x29: {  	s4 =	sld [smem:$0x3FA6]  }
0x2a: {  	p0 =	seq.s32 s5, $0x0;
	s5 =	sld [smem:$0x3FA7]  }
0x2b: {  	s6 =	sld [smem:$0x3FA8]  }
0x2c: {  	s7 =	sld [smem:$0x3FA9]  }
0x2d: {  	s3 =	simm.s32 $0x108;
	s8 =	sld [smem:$0x3FAA]  }
0x2e: {  	s3 =	simm.s32 @!p0 $0x1082;
	s9 =	sld [smem:$0x3FAB]  }
0x2f: {  	lr =	sadd.s32 s0, s3;
	s0 =	sld [smem:$0x3FA2]  }
0x30: {  	s3 =	sld [smem:$0x3FA5]  }
0x31: {  	[smem:$0x3FAE] =	sst s10  }
0x32: {  	s10 =	sld [smem:$0x3FAC];
	_ =	sdelay $0x3  }
0x33: {  	p0 =	seq.s32 s10, $0x1;
	s10 =	sld [smem:$0x3FAE];
	_ =	sdelay $0x3  }
0x34: {  	[smem:$0x3FAE] =	sst s10  }
0x35: {  	s10 =	sld [smem:$0x3FAD];
	_ =	sdelay $0x3  }
0x36: {  	p1 =	seq.s32 s10, $0x1;
	s10 =	sld [smem:$0x3FAE];
	_ =	sdelay $0x3  }
0x37: {  	[smem:$0x3FAE] =	sst s10  }
0x38: {  	s10 =	sld [smem:$0x3FAF]  }
0x39: {  	_ = 	snop;
	(pc) =	sbr.ind lr, $3  }
0x3a: {  	_ = 	snop  }
0x3b: {  	_ = 	snop  }
0x3c: {  	p2 =	seq.s32 s10, $0x1;
	s10 =	sld [smem:$0x3FAE]  }
0x3d: {  	_ =	shalt  }
0x3e: {  	_ =	shalt  }
0x3f: {  	_ =	shalt  }
0x40: {  	_ =	shalt  }
0x41: {  	_ =	shalt  }
0x42: {  	_ =	shalt  }
0x43: {  	_ =	shalt  }
0x44: {  	_ =	shalt  }
0x45: {  	_ =	shalt  }
0x46: {  	_ =	shalt  }
0x47: {  	_ =	shalt  }
0x48: {  	_ =	shalt  }
0x49: {  	_ =	shalt  }
0x4a: {  	_ =	shalt  }
0x4b: {  	_ =	shalt  }
0x4c: {  	_ =	shalt  }
0x4d: {  	_ =	shalt  }
0x4e: {  	_ =	shalt  }
0x4f: {  	_ =	shalt  }
0x50: {  	_ =	shalt  }
0x51: {  	_ =	shalt  }
0x52: {  	_ =	shalt  }
0x53: {  	_ =	shalt  }
0x54: {  	_ =	shalt  }
0x55: {  	_ =	shalt  }
0x56: {  	_ =	shalt  }
0x57: {  	_ =	shalt  }
0x58: {  	_ =	shalt  }
0x59: {  	_ =	shalt  }
0x5a: {  	_ =	shalt  }
0x5b: {  	_ =	shalt  }
0x5c: {  	_ =	shalt  }
0x5d: {  	_ =	shalt  }
0x5e: {  	_ =	shalt  }
0x5f: {  	_ =	shalt  }
0x60: {  	_ =	shalt  }
0x61: {  	_ =	shalt  }
0x62: {  	_ =	shalt  }
0x63: {  	_ =	shalt  }
0x64: {  	_ =	shalt  }
0x65: {  	_ =	shalt  }
0x66: {  	_ =	shalt  }
0x67: {  	_ =	shalt  }
0x68: {  	_ =	shalt  }
0x69: {  	_ =	shalt  }
0x6a: {  	_ =	shalt  }
0x6b: {  	_ =	shalt  }
0x6c: {  	_ =	shalt  }
0x6d: {  	_ =	shalt  }
0x6e: {  	_ =	shalt  }
0x6f: {  	_ =	shalt  }
0x70: {  	_ =	shalt  }
0x71: {  	_ =	shalt  }
0x72: {  	_ =	shalt  }
0x73: {  	_ =	shalt  }
0x74: {  	_ =	shalt  }
0x75: {  	_ =	shalt  }
0x76: {  	_ =	shalt  }
0x77: {  	_ =	shalt  }
0x78: {  	_ =	shalt  }
0x79: {  	_ =	shalt  }
0x7a: {  	_ =	shalt  }
0x7b: {  	_ =	shalt  }
0x7c: {  	_ =	shalt  }
0x7d: {  	_ =	shalt  }
0x7e: {  	_ =	shalt  }
0x7f: {  	_ =	shalt  }
0x80: {  	_ =	shalt  }
0x81: {  	_ =	shalt  }
0x82: {  	_ =	shalt  }
0x83: {  	_ =	shalt  }
0x84: {  	_ =	shalt  }
0x85: {  	_ =	shalt  }
0x86: {  	_ =	shalt  }
0x87: {  	_ =	shalt  }
.Lfunc_end0:
.L_simem_size_0:
called_computation_lowered:
.L_overlay_start_0:
0x88: {  	s2 =	sld [smem:$0x3FD9]  }
0x89: {  	s3 =	sld [smem:$0x3FFE];
	_ =	sdelay $0x1  }
0x8a: {  	s1 =	srdreg.scid  }
0x8b: {  	s0 =	sand.u32 $0x1, s1  }
0x8c: {  	s29 =	sshll.u32 s0, $0xA;
	s2 =	sadd.s32 s3, s2  }
0x8d: {  	s2 =	sadd.s32 s2, s29  }
0x8e: {  	[smem:$0x3FBA] =	sst s2  }
0x8f: {  	_ = 	snop  }
0x90: {  	s2 =	sld [smem:$0x3FC9]  }
0x91: {  	s30 =	sld [smem:$0x3FC8]  }
0x92: {  	s4 =	sld [smem:$0x3FC7]  }
0x93: {  	s5 =	sld [smem:$0x3FC6]  }
0x94: {  	s6 =	sld [smem:$0x3FC2]  }
0x95: {  	s7 =	sld [smem:$0x3FC1]  }
0x96: {  	s8 =	sld [smem:$0x3FD0]  }
0x97: {  	s9 =	sld [smem:$0x3FC0]  }
0x98: {  	s10 =	sld [smem:$0x3FBF]  }
0x99: {  	s12 =	simm.s32 $0xA;
	s13 =	simm.s32 $0x10;
	s11 =	sld [smem:$0x3FBE]  }
0x9a: {  	[smem:s13], [sflag:s12] =	dma.local [hbm:s8], $0x1  }
0x9b: {  	_ =	swait.eq [sflag:s12], $0x1  }
0x9c: {  	[sflag:s12] =	ssyncset.done $0x0  }
0x9d: {  	s31 =	sld [smem:$0x10];
	[sflag:s12] =	ssyncadd.s32 $0xFFFFFFFF  }
0x9e: {  	s18 =	sld [smem:$0x11];
	(tm) =	ssettm $0x1  }
0x9f: {  	s19 =	sld [smem:$0x3FFB];
	_ =	sdelay $0x3  }
0xa0: {  	_ =	strace s19  }
0xa1: {  	s13 =	sld [smem:$0x3FFC];
	_ =	sdelay $0x3  }
0xa2: {  	_ =	strace s13  }
0xa3: {  	s13 =	sld [smem:$0x3FFD];
	_ =	sdelay $0x3  }
0xa4: {  	_ =	strace s13  }
0xa5: {  	_ =	strace $0x8FFFFFFF  }
0xa6: {  	s20 =	sld [smem:$0x3FDB];
	_ =	sdelay $0x1  }
0xa7: {  	s14 =	simm.s32 $_scs_section_size  }
0xa8: {  	s15 =	simm.s32 $_size__tile_overlayer_lowered;
	s16 =	simm.s32 $_tile_overlayer_lowered  }
0xa9: {  	s23 =	simm.s32 $0x1BFF;
	s22 =	sshll.u32 s16, $0x1;
	s13 =	sadd.s32 s14, s20  }
0xaa: {  	s17 =	simm.s32 $0x0;
	s21 =	sshll.u32 s15, $0x1;
	s15 =	sadd.s32 s22, s13  }
0xab: {  	[timem:s17], [sflag:s23] =	dma.local [hbm:s15], s21  }
0xac: {  	_ =	swait.ge [sflag:s23], s21  }
0xad: {  	s14 =	ssub.s32 $0x0, s21;
	[sflag:s23] =	ssyncset.done $0x0  }
0xae: {  	[sflag:s23] =	ssyncadd.s32 s14;
	_ =	sdelay $0x1  }
0xaf: {  	s24 =	simm.s32 $0x1B8B  }
0xb0: {  	_ =	swait.ge [sflag:s24], $0x1  }
0xb1: {  	[sflag:s24] =	ssyncset.done $0x0  }
0xb2: {  	s25 =	simm.s32 $0x1B8E;
	[sflag:s24] =	ssyncadd.s32 $0xFFFFFFFF  }
0xb3: {  	s26 =	simm.s32 $execute0_lowered;
	[smem:$0x3FD2] =	sst s25  }
0xb4: {  	s14 =	sshll.u32 s26, $0x1;
	_ =	strace $0x80000046;
	[dreg:$0x1] =	wrdreg $0xFFFFFFFF  }
0xb5: {  	s28 =	simm.s32 $_size_execute0_lowered;
	s13 =	sadd.s32 s13, s14;
	[dreg:$0x0] =	wrdreg $0x0  }
0xb6: {  	s14 =	sshll.u32 s28, $0x1;
	[dreg:$0x2] =	wrdreg s13  }
0xb7: {  	[dreg:$0x3] =	wrdreg s14  }
0xb8: {  	[dreg:$0x4] =	wrdreg $0xC0  }
0xb9: {  	_ =	task [dreg:s17], $0x5FFFF  }
0xba: {  	[dreg:$0x1] =	wrdreg $0xFFFFFFFF  }
0xbb: {  	[dreg:$0x0] =	wrdreg $0x60  }
0xbc: {  	[dreg:$0x2] =	wrdreg s2  }
0xbd: {  	[dreg:$0x3] =	wrdreg s30  }
0xbe: {  	[dreg:$0x4] =	wrdreg s4  }
0xbf: {  	[dreg:$0x5] =	wrdreg s5  }
0xc0: {  	[dreg:$0x6] =	wrdreg s6  }
0xc1: {  	[dreg:$0x7] =	wrdreg s7  }
0xc2: {  	[dreg:$0x8] =	wrdreg s9  }
0xc3: {  	[dreg:$0x9] =	wrdreg s10  }
0xc4: {  	[dreg:$0xa] =	wrdreg s11  }
0xc5: {  	[dreg:$0xb] =	wrdreg s18  }
0xc6: {  	[dreg:$0xc] =	wrdreg s31  }
0xc7: {  	[dreg:$0xd] =	wrdreg $0x9  }
0xc8: {  	_ =	task.clear_ibuf [dreg:s17], $0xEFFFF;
	_ =	strace $0x90000046  }
0xc9: {  	s29 =	simm.s32 $0x9;
	_ =	strace $0x80000048  }
0xca: {  	_ =	swait.ge [sflag:s29], $0x1  }
0xcb: {  	[sflag:s29] =	ssyncadd.s32 $0xFFFFFFFF  }
0xcc: {  	_ =	strace $0x90000048  }
0xcd: {  	_ =	sfence  }
0xce: {  	s30 =	sld [smem:$0x0];
	_ =	sdelay $0x2  }
0xcf: {  	s31 =	sshll.u32 s1, $0xD;
	s1 =	sshrl.u32 s1, $0x2  }
0xd0: {  	s3 =	sand.u32 $0x4000, s31;
	s1 =	sadd.s32 s1, s30  }
0xd1: {  	s0 =	sor.u32 s3, s0;
	s1 =	sshll.u32 s1, $0x11  }
0xd2: {  	s0 =	sor.u32 s1, s0  }
0xd3: {  	s0 =	sadd.s32 $0x8F2B, s0  }
0xd4: {  	[sflag:s0] =	ssyncadd.remote.s32 $0x1  }
0xd5: {  	_ =	sfence.sel $0xFFFF  }
0xd6: {  	[dreg:$0x0] =	wrdreg $0xFFFFFFFF;
	(pc) =	sbr.abs _section_cstart, $3  }
0xd7: {  	[dreg:$0x1] =	wrdreg $0xFFFFFFFF  }
0xd8: {  	_ =	task.clear_ibuf [dreg:s17], $0x2FFFF;
	_ =	strace $0x9FFFFFFF  }
0xd9: {  	(tm) =	ssettm $0x7FFFFFFF  }
tec
execute0_lowered:
.L_overlay_start_1:
0x0: {  	(tag) =	ssettag $0x1  }
0x1: {  	s0 =	rddreg [dreg:$0x0]  }
0x2: {  	s1 =	rddreg [dreg:$0x1]  }
0x3: {  	s2 =	rddreg [dreg:$0x2]  }
0x4: {  	s6 =	rddreg [dreg:$0x3]  }
0x5: {  	s3 =	rddreg [dreg:$0x6]  }
0x6: {  	s4 =	rddreg [dreg:$0x7]  }
0x7: {  	s5 =	rddreg [dreg:$0x8]  }
0x8: {  	s12 =	rddreg [dreg:$0x9]  }
0x9: {  	s13 =	rddreg [dreg:$0xa]  }
0xa: {  	s8 =	srdreg.scid;
	s7 =	simm.s32 $0x0;
	s11 =	stileid.u32  }
0xb: {  	s16 =	simm.s32 $0x600;
	s17 =	simm.s32 $0x1000;
	s18 =	simm.s32 $0x1400  }
0xc: {  	s19 =	simm.s32 $0x1800;
	s20 =	simm.s32 $0x2;
	s21 =	simm.s32 $0x1  }
0xd: {  	s22 =	simm.s32 $0x1880;
	s23 =	simm.s32 $0x3;
	s24 =	simm.s32 $0x1A80  }
0xe: {  	s25 =	simm.s32 $0x0;
	s8 =	sand.u32 $0x1, s8;
	[smem:$0x7FF] =	sst s7  }
0xf: {  	s11 =	sshll.u32 s11, $0x7;
	s9 =	ssub.s32 $0x2, s8;
	s8 =	sshll.u32 s8, $0x6  }
0x10: {  	_ =	strace $0x80000047;
	s10 =	sshrl.u32 s9, $0x1;
	s15 =	sor.u32 s8, s11  }
0x11: {  	s14 =	ssub.s32 s9, s10;
	s8 =	sadd.s32 s0, s15;
	s9 =	sadd.s32 s1, s15  }
0x12: {  	s10 =	sadd.s32 s2, s15;
	s11 =	sadd.s32 s6, s15;
	s12 =	sadd.s32 s12, s15  }
0x13: {  	s13 =	sadd.s32 s13, s15;
	s15 =	simm.s32 $0x400;
	s14 =	smax.u32 s14, $0x1  }
.LBB2_1:
0x14: {  	[tilespmem:s7], [sflag:$0x2] =	stream.linear.gather [hbm4b:s8+s7], $0x200, $0x38;
	[tilespmem:$0x1C80] =	vst v63  }
0x15: {  	s0 =	simm.s32 $0x200  }
0x16: {  	[tilespmem:s0], [sflag:$0x2] =	stream.linear.gather [hbm4b:s9+s7], $0x200, $0x38;
	[tilespmem:$0x1C80] =	vst v63  }
0x17: {  	_ = 	snop  }
0x18: {  	[tilespmem:s15], [sflag:$0x2] =	stream.linear.gather [hbm4b:s10+s7], $0x200, $0x38;
	[tilespmem:$0x1C80] =	vst v63  }
0x19: {  	_ = 	snop  }
0x1a: {  	[tilespmem:s16], [sflag:$0x2] =	stream.linear.gather [hbm4b:s11+s7], $0x200, $0x38;
	[tilespmem:$0x1C80] =	vst v63  }
0x1b: {  	s1 =	rddreg [dreg:$0x4]  }
0x1c: {  	[tilespmem:s17], [sflag:$0x2] =	stream.linear.gather [hbm4b:s1+s7], $0x3E8, $0x38;
	[tilespmem:$0x1C80] =	vst v63  }
0x1d: {  	s6 =	rddreg [dreg:$0x5]  }
0x1e: {  	[tilespmem:s18], [sflag:$0x2] =	stream.linear.gather [hbm4b:s6+s7], $0x3E8, $0x38;
	[tilespmem:$0x1C80] =	vst v63  }
0x1f: {  	_ = 	snop  }
0x20: {  	[tilespmem:s19], [sflag:$0x2] =	stream.linear.gather [hbm4b:s3+s7], $0x32, $0x38;
	[tilespmem:$0x1C80] =	vst v63  }
0x21: {  	_ =	swait.ge [sflag:s20], $0x200  }
0x22: {  	[sflag:s20] =	ssyncset.done $0x0  }
0x23: {  	[sflag:s20] =	ssyncadd.s32 $0xFFFFFE00  }
0x24: {  	_ =	swait.ge [sflag:s20], $0x200  }
0x25: {  	[sflag:s20] =	ssyncset.done $0x0  }
0x26: {  	[sflag:s20] =	ssyncadd.s32 $0xFFFFFE00  }
0x27: {  	_ =	swait.ge [sflag:s20], $0x200  }
0x28: {  	[sflag:s20] =	ssyncset.done $0x0  }
0x29: {  	[sflag:s20] =	ssyncadd.s32 $0xFFFFFE00  }
0x2a: {  	_ =	swait.ge [sflag:s20], $0x200  }
0x2b: {  	[sflag:s20] =	ssyncset.done $0x0  }
0x2c: {  	s1 =	simm.s32 $0x800;
	[sflag:s20] =	ssyncadd.s32 $0xFFFFFE00  }
0x2d: {  	[tilespmem:s1], [sflag:$0x1] =	stream.indirect.gather [hbm4b:s4+s0], $0x1, s15, s0, $0xb8;
	[tilespmem:$0x1C80] =	vst v63  }
0x2e: {  	s2 =	simm.s32 $0xA00  }
0x2f: {  	[tilespmem:s2], [sflag:$0x1] =	stream.indirect.gather [hbm4b:s4+s0], $0x1, s16, s0, $0xb8;
	[tilespmem:$0x1C80] =	vst v63  }
0x30: {  	s6 =	simm.s32 $0xC00  }
0x31: {  	[tilespmem:s6], [sflag:$0x1] =	stream.indirect.gather [hbm4b:s5+s0], $0x1, s15, s0, $0xb8;
	[tilespmem:$0x1C80] =	vst v63  }
0x32: {  	s26 =	simm.s32 $0xE00  }
0x33: {  	[tilespmem:s26], [sflag:$0x1] =	stream.indirect.gather [hbm4b:s5+s0], $0x1, s16, s0, $0xb8;
	[tilespmem:$0x1C80] =	vst v63  }
0x34: {  	_ =	swait.ge [sflag:s20], $0x3E8  }
0x35: {  	[sflag:s20] =	ssyncset.done $0x0  }
0x36: {  	[sflag:s20] =	ssyncadd.s32 $0xFFFFFC18  }
0x37: {  	_ =	swait.ge [sflag:s20], $0x3E8  }
0x38: {  	[sflag:s20] =	ssyncset.done $0x0  }
0x39: {  	[sflag:s20] =	ssyncadd.s32 $0xFFFFFC18  }
0x3a: {  	_ =	swait.ge [sflag:s20], $0x32  }
0x3b: {  	[sflag:s20] =	ssyncset.done $0x0  }
0x3c: {  	[sflag:s20] =	ssyncadd.s32 $0xFFFFFFCE  }
0x3d: {  	_ =	swait.ge [sflag:s21], $0x200  }
0x3e: {  	[sflag:s21] =	ssyncset.done $0x0  }
0x3f: {  	[sflag:s21] =	ssyncadd.s32 $0xFFFFFE00  }
0x40: {  	_ =	swait.ge [sflag:s21], $0x200  }
0x41: {  	[sflag:s21] =	ssyncset.done $0x0  }
0x42: {  	[sflag:s21] =	ssyncadd.s32 $0xFFFFFE00  }
0x43: {  	_ =	swait.ge [sflag:s21], $0x200  }
0x44: {  	[sflag:s21] =	ssyncset.done $0x0  }
0x45: {  	[sflag:s21] =	ssyncadd.s32 $0xFFFFFE00  }
0x46: {  	_ =	swait.ge [sflag:s21], $0x200  }
0x47: {  	[sflag:s21] =	ssyncset.done $0x0  }
0x48: {  	[sflag:s21] =	ssyncadd.s32 $0xFFFFFE00  }
0x49: {  	v0 =	vld [tilespmem:s7+$0x0]  }
0x4a: {  	v1 =	vld [tilespmem:s0+$0x0];
	_ =	sdelay $0x3  }
0x4b: {  	s0 =	simm.s32 $0x10;
	v5 =	vld [tilespmem:s1+$0x0]  }
0x4c: {  	v2 =	vld [tilespmem:s0+$0x0];
	s0 =	simm.s32 $0x210  }
0x4d: {  	v4 =	vld [tilespmem:s0+$0x0]  }
0x4e: {  	v3 =	vld.idx.msk [tilespmem:v0+s17+$0x0], $0xffff  }
0x4f: {  	s1 =	simm.s32 $0x220;
	v1 =	vld.idx.msk [tilespmem:v1+s19+$0x0], $0xffff  }
0x50: {  	v8 =	vld [tilespmem:s1+$0x0]  }
0x51: {  	v0 =	vld.idx.msk [tilespmem:v0+s18+$0x0], $0xffff;
	_ =	sdelay $0x1  }
0x52: {  	v6 =	vld [tilespmem:s26+$0x0]  }
0x53: {  	v7 =	vld.idx.msk [tilespmem:v2+s17+$0x0], $0xffff;
	v3 =	vadd.f32 v1, v3  }
0x54: {  	s26 =	simm.s32 $0x20;
	v4 =	vld.idx.msk [tilespmem:v4+s19+$0x0], $0xffff  }
0x55: {  	v1 =	vld [tilespmem:s26+$0x0];
	v0 =	vadd.f32 v3, v0  }
0x56: {  	v2 =	vld.idx.msk [tilespmem:v2+s18+$0x0], $0xffff  }
0x57: {  	v8 =	vld.idx.msk [tilespmem:v8+s19+$0x0], $0xffff;
	s26 =	simm.s32 $0xE10;
	v0 =	vadd.f32 v0, v5  }
0x58: {  	s1 =	simm.s32 $0x810;
	v5 =	vld [tilespmem:s26+$0x0]  }
0x59: {  	s26 =	simm.s32 $0x30;
	v0 =	vsub.f32 v0, v6;
	v6 =	vld [tilespmem:s1+$0x0]  }
0x5a: {  	v10 =	vadd.f32 v4, v7;
	v9 =	vld [tilespmem:s26+$0x0];
	s26 =	simm.s32 $0x230  }
0x5b: {  	v11 =	vld [tilespmem:s26+$0x0];
	s1 =	simm.s32 $0xE20  }
0x5c: {  	v2 =	vadd.f32 v10, v2;
	v12 =	vld [tilespmem:s1+$0x0]  }
0x5d: {  	[tilespmem:s22+$0x0] =	vst v0;
	v0 =	vld.idx.msk [tilespmem:v1+s17+$0x0], $0xffff  }
0x5e: {  	v4 =	vld [tilespmem:s2+$0x0];
	v2 =	vadd.f32 v2, v6  }
0x5f: {  	v7 =	vld [tilespmem:s6+$0x0]  }
0x60: {  	s2 =	simm.s32 $0x820;
	v6 =	vld.idx.msk [tilespmem:v1+s18+$0x0], $0xffff;
	v2 =	vsub.f32 v2, v5  }
0x61: {  	s26 =	simm.s32 $0x1890;
	s6 =	simm.s32 $0x40;
	v13 =	vld [tilespmem:s2+$0x0]  }
0x62: {  	v1 =	vld [tilespmem:s6+$0x0];
	[tilespmem:s26+$0x0] =	vst v2;
	s26 =	simm.s32 $0xA10  }
0x63: {  	v0 =	vadd.f32 v8, v0;
	v14 =	vld [tilespmem:s26+$0x0]  }
0x64: {  	s28 =	simm.s32 $0xC10;
	v5 =	vld.idx.msk [tilespmem:v11+s19+$0x0], $0xffff  }
0x65: {  	s2 =	simm.s32 $0x240;
	v15 =	vld [tilespmem:s28+$0x0];
	v6 =	vadd.f32 v0, v6  }
0x66: {  	v3 =	vadd.f32 v4, v3;
	v4 =	vld [tilespmem:s2+$0x0]  }
0x67: {  	v2 =	vld.idx.msk [tilespmem:v9+s17+$0x0], $0xffff;
	v6 =	vadd.f32 v6, v13  }
0x68: {  	s31 =	simm.s32 $0xE30;
	v8 =	vsub.f32 v3, v7;
	v7 =	vld.idx.msk [tilespmem:v9+s18+$0x0], $0xffff;
	v10 =	vadd.f32 v14, v10  }
0x69: {  	s30 =	simm.s32 $0x18A0;
	s6 =	simm.s32 $0x830;
	v3 =	vld [tilespmem:s31+$0x0];
	v9 =	vsub.f32 v6, v12  }
0x6a: {  	s29 =	simm.s32 $0x1A80;
	s0 =	simm.s32 $0x40;
	s1 =	simm.s32 $0x50;
	[tilespmem:s24+$0x0] =	vst v8;
	v8 =	vld [tilespmem:s6+$0x0];
	v6 =	vsub.f32 v10, v15  }
.LBB2_2:
0x6b: {  	v10 =	vld [tilespmem:s1+$0x0];
	[tilespmem:s30+$0x0] =	vst v9;
	s26 =	sadd.s32 $0x10, s26;
	s29 =	sadd.s32 $0x10, s29  }
0x6c: {  	v9 =	vadd.f32 v5, v2;
	v11 =	vld [tilespmem:s26+$0x0];
	[tilespmem:s29+$0x0] =	vst v6  }
0x6d: {  	s28 =	sadd.s32 $0x10, s28;
	s0 =	sadd.s32 $0x10, s0;
	v2 =	vld.idx.msk [tilespmem:v1+s17+$0x0], $0xffff  }
0x6e: {  	p0 =	slt.u32 s0, $0x1F0;
	v6 =	vadd.f32 v9, v7;
	v12 =	vld [tilespmem:s28+$0x0]  }
.Ltmp0:
0x6f: {  	s2 =	sadd.s32 $0x10, s2;
	v5 =	vld.idx.msk [tilespmem:v4+s19+$0x0], $0xffff;
	(pc) =	sbr.rel @p0 .LBB2_2-.Ltmp0, $4  }
0x70: {  	v6 =	vadd.f32 v6, v8;
	v4 =	vld [tilespmem:s2+$0x0]  }
0x71: {  	s31 =	sadd.s32 $0x10, s31;
	v7 =	vld.idx.msk [tilespmem:v1+s18+$0x0], $0xffff;
	v11 =	vadd.f32 v11, v0;
	v1 =	vmov v10;
	v0 =	vmov v9  }
0x72: {  	s6 =	sadd.s32 $0x10, s6;
	v9 =	vsub.f32 v6, v3;
	v3 =	vld [tilespmem:s31+$0x0]  }
0x73: {  	s1 =	sadd.s32 $0x10, s1;
	s30 =	sadd.s32 $0x10, s30;
	v8 =	vld [tilespmem:s6+$0x0];
	v6 =	vsub.f32 v11, v12  }
0x74: {  	_ =	sdelay $0x3  }
0x75: {  	v10 =	vld.idx.msk [tilespmem:v1+s17+$0x0], $0xffff  }
0x76: {  	v4 =	vld.idx.msk [tilespmem:v4+s19+$0x0], $0xffff;
	_ =	sdelay $0x1  }
0x77: {  	v56 =	vld.idx.msk [tilespmem:v1+s18+$0x0], $0xffff  }
0x78: {  	s0 =	sadd.s32 $0x10, s6  }
0x79: {  	v2 =	vadd.f32 v5, v2;
	v57 =	vld [tilespmem:s0+$0x0]  }
0x7a: {  	s6 =	sadd.s32 $0x10, s31;
	v4 =	vadd.f32 v4, v10  }
0x7b: {  	v58 =	vld [tilespmem:s6+$0x0];
	v7 =	vadd.f32 v2, v7  }
0x7c: {  	v1 =	vadd.f32 v4, v56  }
0x7d: {  	v7 =	vadd.f32 v7, v8  }
0x7e: {  	v1 =	vadd.f32 v1, v57  }
0x7f: {  	[tilespmem:s30+$0x0] =	vst v9;
	s26 =	sadd.s32 $0x10, s26;
	v3 =	vsub.f32 v7, v3  }
0x80: {  	s1 =	sadd.s32 $0x10, s28;
	s2 =	sadd.s32 $0x10, s30;
	v59 =	vld [tilespmem:s26+$0x0];
	v1 =	vsub.f32 v1, v58  }
0x81: {  	v60 =	vld [tilespmem:s1+$0x0];
	s0 =	sadd.s32 $0x10, s26;
	[tilespmem:s2+$0x0] =	vst v3;
	s2 =	sadd.s32 $0x10, s2  }
0x82: {  	v3 =	vld [tilespmem:s0+$0x0];
	s0 =	sadd.s32 $0x10, s0;
	[tilespmem:s2+$0x0] =	vst v1  }
0x83: {  	s1 =	sadd.s32 $0x10, s1;
	v1 =	vld [tilespmem:s0+$0x0]  }
0x84: {  	s30 =	sadd.s32 $0x10, s1;
	v61 =	vld [tilespmem:s1+$0x0]  }
0x85: {  	v62 =	vld [tilespmem:s30+$0x0]  }
0x86: {  	v0 =	vadd.f32 v59, v0  }
0x87: {  	v2 =	vadd.f32 v3, v2  }
0x88: {  	s31 =	sadd.s32 $0x10, s29;
	v0 =	vsub.f32 v0, v60;
	v1 =	vadd.f32 v1, v4  }
0x89: {  	[tilespmem:s31+$0x0] =	vst v6;
	s0 =	sadd.s32 $0x10, s31;
	v2 =	vsub.f32 v2, v61  }
0x8a: {  	[tilespmem:s0+$0x0] =	vst v0;
	s0 =	sadd.s32 $0x10, s0;
	v63 =	vsub.f32 v1, v62  }
0x8b: {  	[tilespmem:s0+$0x0] =	vst v2;
	s0 =	sadd.s32 $0x10, s0  }
0x8c: {  	[tilespmem:s0+$0x0] =	vst v63  }
0x8d: {  	[hbm4b:s12+s7] =	stream.linear.scatter [tilespmem:s22], [sflag:$0x3], $0x200, $0x38;
	[tilespmem:$0x1C80] =	vst v63  }
0x8e: {  	s25 =	sadd.s32 $0x1, s25;
	_ =	swait.ge [sflag:s23], $0x200  }
0x8f: {  	p0 =	sne.s32 s25, s14;
	[sflag:s23] =	ssyncset.done $0x0  }
.Ltmp1:
0x90: {  	[sflag:s23] =	ssyncadd.s32 $0xFFFFFE00;
	(pc) =	sbr.rel @p0 .LBB2_1-.Ltmp1, $4  }
0x91: {  	[hbm4b:s13+s7] =	stream.linear.scatter [tilespmem:s24], [sflag:$0x3], $0x200, $0x38;
	[tilespmem:$0x1C80] =	vst v63  }
0x92: {  	_ =	swait.ge [sflag:s23], $0x200  }
0x93: {  	[sflag:s23] =	ssyncset.done $0x0  }
0x94: {  	[sflag:s23] =	ssyncadd.s32 $0xFFFFFE00  }
0x95: {  	_ =	sfence.sel $0x180000  }
0x96: {  	[bflag:$0x0] =	sbarrier.arrive $0xFFFF  }
0x97: {  	_ =	strace $0x90000047  }
0x98: {  	s0 =	stileid.u32;
	[bflag:$0x2] =	sbarrier.arrive $0xFFFF  }
0x99: {  	p0 =	sne.s32 s0, $0x0;
	s0 =	rddreg [dreg:$0xb]  }
0x9a: {  	s0 =	sadd.s32 @!p0 $0x100000, s0  }
0x9b: {  	[sflag:s0] =	ssyncadd.tile.s32 @!p0 $0x1;
	_ =	shalt  }
.Lfunc_end2:
_tile_overlayer_lowered:
.L_overlay_start_2:
0x9c: {  	(tag) =	ssettag $0x2  }
0x9d: {  	s0 =	rddreg [dreg:$0x0];
	s2 =	stileid.u32  }
0x9e: {  	s1 =	rddreg [dreg:$0x1];
	p0 =	sne.s32 s2, $0x0  }
0x9f: {  	s3 =	rddreg [dreg:$0x2];
	[bflag:$0x3] =	sbarrier.arrive $0xFFFF;
	s2 =	simm.s32 @!p0 $0x1C03  }
0xa0: {  	[timem:s3], [sflag:s2] =	dma.local @!p0 [hbm:s0], s1  }
0xa1: {  	s0 =	simm.s32 @!p0 $0x3  }
0xa2: {  	_ =	swait.ge @!p0 [sflag:s0], s1  }
0xa3: {  	s1 =	ssub.s32 @!p0 $0x0, s1;
	[sflag:s0] =	ssyncset.done @!p0 $0x0  }
0xa4: {  	[sflag:s0] =	ssyncadd.s32 @!p0 s1  }
0xa5: {  	[bflag:$0x3] =	sbarrier.arrive $0xFFFF  }
0xa6: {  	_ =	shalt  }

</sc_bundles>
